<compile_context>
chip_gen: v7x
topology: tpu7x:2x2x1
jax: 0.10.2.dev20260603
libtpu: 0.0.44.dev20260713+nightly
codegen_flags: <defaults>
</compile_context>

<pallas_src>
import functools

import jax
import jax.numpy as jnp
from jax import lax
from jax.experimental import pallas as pl
from jax.experimental.pallas import tpu as pltpu
from jax.experimental.pallas import tpu_sc as plsc

N_EXPERTS = 64
TOP_K = 8
N_TOKENS = 32768
BLOCK_R = 4096
GRID = N_TOKENS // BLOCK_R

_NC = 2
_NS = 16
_NW = _NC * _NS
_CHUNK = (TOP_K * N_TOKENS) // _NW
_ROWS_PER_SLOT = _NW // TOP_K


def _sc_hist_body(ids_hbm, out_hbm, idx_v, ones_v, part_v, shared):
    cid = lax.axis_index("c")
    sid = lax.axis_index("s")
    wid = sid * _NC + cid
    slot = wid // _ROWS_PER_SLOT
    base = (wid % _ROWS_PER_SLOT) * _CHUNK
    pltpu.sync_copy(ids_hbm.at[slot, pl.ds(base, _CHUNK)], idx_v)

    zeros = jnp.zeros((16,), jnp.float32)
    ones = jnp.ones((16,), jnp.float32)

    @pl.loop(0, _CHUNK // 16)
    def _fill(i):
        ones_v[pl.ds(i * 16, 16)] = ones

    @pl.when(sid == 0)
    def _():
        @pl.loop(0, N_EXPERTS // 16)
        def _z(i):
            part_v[pl.ds(i * 16, 16)] = zeros
        pltpu.sync_copy(part_v, shared)

    plsc.subcore_barrier()
    pltpu.sync_copy(ones_v, shared.at[idx_v], add=True)
    plsc.subcore_barrier()

    @pl.when(sid == 0)
    def _():
        pltpu.sync_copy(shared, part_v)
        pltpu.sync_copy(part_v, out_hbm.at[pl.ds(cid * N_EXPERTS, N_EXPERTS)])


_sc_hist = pl.kernel(
    _sc_hist_body,
    mesh=plsc.VectorSubcoreMesh(core_axis_name="c", subcore_axis_name="s"),
    out_type=jax.ShapeDtypeStruct((_NC * N_EXPERTS,), jnp.float32),
    scratch_types=[
        pltpu.VMEM((_CHUNK,), jnp.int32),
        pltpu.VMEM((_CHUNK,), jnp.float32),
        pltpu.VMEM((N_EXPERTS,), jnp.float32),
        pltpu.VMEM_SHARED((N_EXPERTS,), jnp.float32),
    ],
)


def _router_body(x_ref, w_ref, ids_ref):
    x = x_ref[...].T
    iota0 = lax.broadcasted_iota(jnp.int32, (N_EXPERTS, BLOCK_R), 0)
    neg_inf = jnp.float32(-jnp.inf)

    vals = []
    ids = []
    for _ in range(TOP_K):
        m = jnp.max(x, axis=0, keepdims=True)
        cand = jnp.where(x == m, iota0, N_EXPERTS)
        idx = jnp.min(cand, axis=0, keepdims=True)
        vals.append(m)
        ids.append(idx)
        x = jnp.where(iota0 == idx, neg_inf, x)

    v8 = jnp.concatenate(vals, axis=0)
    i8 = jnp.concatenate(ids, axis=0)
    e = jnp.exp(v8 - v8[0:1, :])
    w_ref[...] = e / jnp.sum(e, axis=0, keepdims=True)
    ids_ref[...] = i8


@functools.partial(jax.jit)
def kernel(logits):
    w8, ids8 = pl.pallas_call(
        _router_body,
        grid=(GRID,),
        in_specs=[pl.BlockSpec((BLOCK_R, N_EXPERTS), lambda i: (i, 0))],
        out_specs=[
            pl.BlockSpec((TOP_K, BLOCK_R), lambda i: (0, i)),
            pl.BlockSpec((TOP_K, BLOCK_R), lambda i: (0, i)),
        ],
        out_shape=[
            jax.ShapeDtypeStruct((TOP_K, N_TOKENS), jnp.float32),
            jax.ShapeDtypeStruct((TOP_K, N_TOKENS), jnp.int32),
        ],
    )(logits)
    hist = _sc_hist(ids8).reshape(_NC, N_EXPERTS).sum(axis=0)
    return (logits, w8.T, ids8.T, hist)

# --- scband reference (transcript-rebuilt; emitter-appended) ---
"""Pipeline reference for scband-greedy-router-79087527788635 (READ-ONLY COPY).

The authoritative reference and input builder live on the scoring server;
editing this copy changes nothing except your own understanding.
"""

import jax, jax.numpy as jnp
import numpy as np

N_ROUTED_EXPERTS = 64
TOP_K = 8
NORM_TOPK_PROB = True


def setup_inputs(seed: int = 0) -> dict:
    key = jax.random.key(seed)
    logits = jax.random.normal(key, (32768, N_ROUTED_EXPERTS), dtype=jnp.float32)
    return {"logits": logits}


def reference(logits):
    # routing_weights = softmax(logits, dim=1, dtype=float32)
    routing_weights = jax.nn.softmax(logits.astype(jnp.float32), axis=1)
    # topk over experts
    topk_weights, topk_ids = jax.lax.top_k(routing_weights, TOP_K)
    if NORM_TOPK_PROB:
        topk_weights = topk_weights / jnp.sum(topk_weights, axis=-1, keepdims=True)
    # torch.histc(topk_ids, bins=E, min=0, max=E) == bincount over expert ids
    tokens_per_expert = jnp.bincount(
        topk_ids.reshape(-1).astype(jnp.int32), length=N_ROUTED_EXPERTS
    ).astype(jnp.float32)
    return (logits, topk_weights, topk_ids, tokens_per_expert)

if __name__ == "__main__":
    import jax
    _d = setup_inputs()
    print(jax.jit(kernel)(*tuple(_d.values())))

</pallas_src>

<mosaic_0001>
#map = affine_map<(d0, d1) -> (0, 0)>
#map1 = affine_map<(d0, d1) -> (0)>
module attributes {stable_mosaic.version = 14 : i64} {
  func.func @_sc_hist_body(%arg0: i32, %arg1: i32, %arg2: memref<8x32768xi32, #tpu.memory_space<hbm>>, %arg3: memref<128xf32, #tpu.memory_space<hbm>>, %arg4: memref<8192xi32, #tpu.memory_space<vmem>>, %arg5: memref<8192xf32, #tpu.memory_space<vmem>>, %arg6: memref<64xf32, #tpu.memory_space<vmem>>, %arg7: memref<64xf32, #tpu.memory_space<vmem_shared>>) attributes {dimension_semantics = [#tpu.dimension_semantics<core_parallel>, #tpu.dimension_semantics<subcore_parallel>], iteration_bounds = array<i64: 2, 16>, scalar_prefetch = 0 : i64, scratch_operands = 4 : i64, tpu.core_type = #tpu.core_type<sc_vector_subcore>, window_params = [{transform_indices = #map}, {transform_indices = #map1}]} {
    %mul3A = arith.constant 2 : i32
    %mul3A_0 = arith.muli %arg1, %mul3A : i32
    %add3A = arith.addi %mul3A_0, %arg0 : i32
    %jit3A = arith.constant 4 : i32
    %div3A = arith.divsi %add3A, %jit3A : i32
    %sign3A = arith.constant 0 : i32
    %sign3A_1 = arith.cmpi sgt, %add3A, %sign3A : i32
    %sign3A_2 = arith.extui %sign3A_1 : i1 to i32
    %sign3A_3 = arith.constant 0 : i32
    %sign3A_4 = arith.cmpi slt, %add3A, %sign3A_3 : i32
    %sign3A_5 = arith.extui %sign3A_4 : i1 to i32
    %sign3A_6 = arith.subi %sign3A_2, %sign3A_5 : i32
    %sign3A_7 = arith.constant 0 : i32
    %sign3A_8 = arith.cmpi sgt, %jit3A, %sign3A_7 : i32
    %sign3A_9 = arith.extui %sign3A_8 : i1 to i32
    %sign3A_10 = arith.constant 0 : i32
    %sign3A_11 = arith.cmpi slt, %jit3A, %sign3A_10 : i32
    %sign3A_12 = arith.extui %sign3A_11 : i1 to i32
    %sign3A_13 = arith.subi %sign3A_9, %sign3A_12 : i32
    %ne3A = arith.cmpi ne, %sign3A_6, %sign3A_13 : i32
    %rem3A = arith.remsi %add3A, %jit3A : i32
    %ne3A_14 = arith.constant 0 : i32
    %ne3A_15 = arith.cmpi ne, %rem3A, %ne3A_14 : i32
    %and3A = arith.andi %ne3A, %ne3A_15 : i1
    %sub3A = arith.constant 1 : i32
    %sub3A_16 = arith.subi %div3A, %sub3A : i32
    %select_n3A = arith.select %and3A, %sub3A_16, %div3A : i32
    %jit3A_17 = arith.constant 4 : i32
    %eq3A = arith.constant 0 : i32
    %eq3A_18 = arith.cmpi eq, %jit3A_17, %eq3A : i32
    %jit3A_19 = arith.constant 1 : i32
    %select_n3A_20 = arith.select %eq3A_18, %jit3A_19, %jit3A_17 : i32
    %rem3A_21 = arith.remsi %add3A, %select_n3A_20 : i32
    %ne3A_22 = arith.constant 0 : i32
    %ne3A_23 = arith.cmpi ne, %rem3A_21, %ne3A_22 : i32
    %lt3A = arith.constant 0 : i32
    %lt3A_24 = arith.cmpi slt, %rem3A_21, %lt3A : i32
    %lt3A_25 = arith.constant 0 : i32
    %lt3A_26 = arith.cmpi slt, %select_n3A_20, %lt3A_25 : i32
    %ne3A_27 = arith.xori %lt3A_24, %lt3A_26 : i1
    %and3A_28 = arith.andi %ne3A_27, %ne3A_23 : i1
    %add3A_29 = arith.addi %rem3A_21, %select_n3A_20 : i32
    %select_n3A_30 = arith.select %and3A_28, %add3A_29, %rem3A_21 : i32
    %mul3A_31 = arith.constant 8192 : i32
    %mul3A_32 = arith.muli %select_n3A_30, %mul3A_31 : i32
    "tpu.region"() ({
      %run_scoped3A = tpu.sem_alloc : memref<!tpu.dma_semaphore, #tpu.memory_space<semaphore_mem>>
      %dma_start3A = tpu.memref_slice %arg2[%select_n3A, %mul3A_32] : memref<8x32768xi32, #tpu.memory_space<hbm>> -> memref<1x8192xi32, #tpu.memory_space<hbm>>
      %dma_start3A_49 = tpu.memref_squeeze %dma_start3A : memref<1x8192xi32, #tpu.memory_space<hbm>> -> memref<8192xi32, #tpu.memory_space<hbm>>
      %dma_start3A_50 = tpu.memref_slice %arg2[%select_n3A, %mul3A_32] : memref<8x32768xi32, #tpu.memory_space<hbm>> -> memref<1x8192xi32, #tpu.memory_space<hbm>>
      %dma_start3A_51 = tpu.memref_squeeze %dma_start3A_50 : memref<1x8192xi32, #tpu.memory_space<hbm>> -> memref<8192xi32, #tpu.memory_space<hbm>>
      tpu.enqueue_dma source(%dma_start3A_51 : memref<8192xi32, #tpu.memory_space<hbm>>) target(%arg4 : memref<8192xi32, #tpu.memory_space<vmem>>) target_semaphore(%run_scoped3A : memref<!tpu.dma_semaphore, #tpu.memory_space<semaphore_mem>>)
      %dma_wait3A = tpu.memref_slice %arg2[%select_n3A, %mul3A_32] : memref<8x32768xi32, #tpu.memory_space<hbm>> -> memref<1x8192xi32, #tpu.memory_space<hbm>>
      %dma_wait3A_52 = tpu.memref_squeeze %dma_wait3A : memref<1x8192xi32, #tpu.memory_space<hbm>> -> memref<8192xi32, #tpu.memory_space<hbm>>
      %dma_wait3A_53 = tpu.memref_slice %arg2[%select_n3A, %mul3A_32] : memref<8x32768xi32, #tpu.memory_space<hbm>> -> memref<1x8192xi32, #tpu.memory_space<hbm>>
      %dma_wait3A_54 = tpu.memref_squeeze %dma_wait3A_53 : memref<1x8192xi32, #tpu.memory_space<hbm>> -> memref<8192xi32, #tpu.memory_space<hbm>>
      tpu.wait_dma2 semaphore(%run_scoped3A : memref<!tpu.dma_semaphore, #tpu.memory_space<semaphore_mem>>) src(%dma_wait3A_54 : memref<8192xi32, #tpu.memory_space<hbm>>) dst(%arg4 : memref<8192xi32, #tpu.memory_space<vmem>>)
      tpu.yield
    }) : () -> ()
    %broadcast_in_dim3A = arith.constant 0.000000e+00 : f32
    %broadcast_in_dim3A_33 = vector.broadcast %broadcast_in_dim3A : f32 to vector<16xf32>
    %broadcast_in_dim3A_34 = arith.constant 1.000000e+00 : f32
    %broadcast_in_dim3A_35 = vector.broadcast %broadcast_in_dim3A_34 : f32 to vector<16xf32>
    %scan3A = arith.constant 0 : i32
    %scan3A_36 = arith.constant 512 : i32
    %scan3A_37 = arith.addi %scan3A, %scan3A_36 : i32
    %scan3A_38 = arith.constant 1 : i32
    scf.for %scan3A_49 = %scan3A to %scan3A_37 step %scan3A_38  : i32 {
      %mul3A_50 = arith.constant 1 : i32
      %mul3A_51 = arith.muli %scan3A_49, %mul3A_50 : i32
      %add3A_52 = arith.constant 0 : i32
      %add3A_53 = arith.addi %add3A_52, %mul3A_51 : i32
      %mul3A_54 = arith.constant 16 : i32
      %mul3A_55 = arith.muli %add3A_53, %mul3A_54 : i32
      %swap3A = arith.index_cast %mul3A_55 : i32 to index
      %swap3A_56 = tpu.vector_load %arg5[%swap3A] {strides = array<i32>} : memref<8192xf32, #tpu.memory_space<vmem>>, vector<16xf32>,
      %swap3A_57 = vector.shape_cast %swap3A_56 : vector<16xf32> to vector<16xf32>
      %swap3A_58 = vector.shape_cast %broadcast_in_dim3A_35 : vector<16xf32> to vector<16xf32>
      tpu.vector_store %arg5[%swap3A], %swap3A_58 {strides = array<i32>} : memref<8192xf32, #tpu.memory_space<vmem>>, vector<16xf32>,
    }
    %scan3A_39 = arith.constant 512 : i32
    %eq3A_40 = arith.constant 0 : i32
    %eq3A_41 = arith.cmpi eq, %arg1, %eq3A_40 : i32
    %convert_element_type3A = arith.extui %eq3A_41 : i1 to i32
    %cond3A = arith.constant 0 : i32
    %cond3A_42 = arith.cmpi ne, %convert_element_type3A, %cond3A : i32
    scf.if %cond3A_42 {
      %scan3A_49 = arith.constant 0 : i32
      %scan3A_50 = arith.constant 4 : i32
      %scan3A_51 = arith.addi %scan3A_49, %scan3A_50 : i32
      %scan3A_52 = arith.constant 1 : i32
      scf.for %scan3A_54 = %scan3A_49 to %scan3A_51 step %scan3A_52  : i32 {
        %mul3A_55 = arith.constant 1 : i32
        %mul3A_56 = arith.muli %scan3A_54, %mul3A_55 : i32
        %add3A_57 = arith.constant 0 : i32
        %add3A_58 = arith.addi %add3A_57, %mul3A_56 : i32
        %mul3A_59 = arith.constant 16 : i32
        %mul3A_60 = arith.muli %add3A_58, %mul3A_59 : i32
        %swap3A = arith.index_cast %mul3A_60 : i32 to index
        %swap3A_61 = tpu.vector_load %arg6[%swap3A] {strides = array<i32>} : memref<64xf32, #tpu.memory_space<vmem>>, vector<16xf32>,
        %swap3A_62 = vector.shape_cast %swap3A_61 : vector<16xf32> to vector<16xf32>
        %swap3A_63 = vector.shape_cast %broadcast_in_dim3A_33 : vector<16xf32> to vector<16xf32>
        tpu.vector_store %arg6[%swap3A], %swap3A_63 {strides = array<i32>} : memref<64xf32, #tpu.memory_space<vmem>>, vector<16xf32>,
      }
      %scan3A_53 = arith.constant 4 : i32
      "tpu.region"() ({
        %run_scoped3A = tpu.sem_alloc : memref<!tpu.dma_semaphore, #tpu.memory_space<semaphore_mem>>
        tpu.enqueue_dma source(%arg6 : memref<64xf32, #tpu.memory_space<vmem>>) target(%arg7 : memref<64xf32, #tpu.memory_space<vmem_shared>>) target_semaphore(%run_scoped3A : memref<!tpu.dma_semaphore, #tpu.memory_space<semaphore_mem>>)
        tpu.wait_dma2 semaphore(%run_scoped3A : memref<!tpu.dma_semaphore, #tpu.memory_space<semaphore_mem>>) src(%arg6 : memref<64xf32, #tpu.memory_space<vmem>>) dst(%arg7 : memref<64xf32, #tpu.memory_space<vmem_shared>>)
        tpu.yield
      }) : () -> ()
    } else {
    }
    %barrier3A = arith.constant 0 : index
    tpu.barrier barrier_id(%barrier3A)
    "tpu.region"() ({
      %run_scoped3A = tpu.sem_alloc : memref<!tpu.dma_semaphore, #tpu.memory_space<semaphore_mem>>
      %dma_start3A = arith.constant 0 : i32
      %dma_start3A_49 = tpu.memref_slice %arg7[%dma_start3A] : memref<64xf32, #tpu.memory_space<vmem_shared>> -> memref<64xf32, #tpu.memory_space<vmem_shared>>
      tpu.enqueue_indirect_dma source(%arg5 : memref<8192xf32, #tpu.memory_space<vmem>>) target(%dma_start3A_49 : memref<64xf32, #tpu.memory_space<vmem_shared>>) offsets(%arg4 : memref<8192xi32, #tpu.memory_space<vmem>>) semaphore(%run_scoped3A : memref<!tpu.dma_semaphore, #tpu.memory_space<semaphore_mem>>) {add = true}
      %dma_wait3A = arith.constant 0 : i32
      %dma_wait3A_50 = tpu.memref_slice %arg7[%dma_wait3A] : memref<64xf32, #tpu.memory_space<vmem_shared>> -> memref<64xf32, #tpu.memory_space<vmem_shared>>
      tpu.wait_indirect_dma semaphore(%run_scoped3A : memref<!tpu.dma_semaphore, #tpu.memory_space<semaphore_mem>>) src(%arg5 : memref<8192xf32, #tpu.memory_space<vmem>>) dst(%dma_wait3A_50 : memref<64xf32, #tpu.memory_space<vmem_shared>>)
      tpu.yield
    }) : () -> ()
    %barrier3A_43 = arith.constant 0 : index
    tpu.barrier barrier_id(%barrier3A_43)
    %eq3A_44 = arith.constant 0 : i32
    %eq3A_45 = arith.cmpi eq, %arg1, %eq3A_44 : i32
    %convert_element_type3A_46 = arith.extui %eq3A_45 : i1 to i32
    %cond3A_47 = arith.constant 0 : i32
    %cond3A_48 = arith.cmpi ne, %convert_element_type3A_46, %cond3A_47 : i32
    scf.if %cond3A_48 {
      "tpu.region"() ({
        %run_scoped3A = tpu.sem_alloc : memref<!tpu.dma_semaphore, #tpu.memory_space<semaphore_mem>>
        tpu.enqueue_dma source(%arg7 : memref<64xf32, #tpu.memory_space<vmem_shared>>) target(%arg6 : memref<64xf32, #tpu.memory_space<vmem>>) target_semaphore(%run_scoped3A : memref<!tpu.dma_semaphore, #tpu.memory_space<semaphore_mem>>)
        tpu.wait_dma2 semaphore(%run_scoped3A : memref<!tpu.dma_semaphore, #tpu.memory_space<semaphore_mem>>) src(%arg7 : memref<64xf32, #tpu.memory_space<vmem_shared>>) dst(%arg6 : memref<64xf32, #tpu.memory_space<vmem>>)
        tpu.yield
      }) : () -> ()
      %mul3A_49 = arith.constant 64 : i32
      %mul3A_50 = arith.muli %arg0, %mul3A_49 : i32
      "tpu.region"() ({
        %run_scoped3A = tpu.sem_alloc : memref<!tpu.dma_semaphore, #tpu.memory_space<semaphore_mem>>
        %dma_start3A = tpu.memref_slice %arg3[%mul3A_50] : memref<128xf32, #tpu.memory_space<hbm>> -> memref<64xf32, #tpu.memory_space<hbm>>
        %dma_start3A_51 = tpu.memref_slice %arg3[%mul3A_50] : memref<128xf32, #tpu.memory_space<hbm>> -> memref<64xf32, #tpu.memory_space<hbm>>
        tpu.enqueue_dma source(%arg6 : memref<64xf32, #tpu.memory_space<vmem>>) target(%dma_start3A_51 : memref<64xf32, #tpu.memory_space<hbm>>) target_semaphore(%run_scoped3A : memref<!tpu.dma_semaphore, #tpu.memory_space<semaphore_mem>>)
        %dma_wait3A = tpu.memref_slice %arg3[%mul3A_50] : memref<128xf32, #tpu.memory_space<hbm>> -> memref<64xf32, #tpu.memory_space<hbm>>
        %dma_wait3A_52 = tpu.memref_slice %arg3[%mul3A_50] : memref<128xf32, #tpu.memory_space<hbm>> -> memref<64xf32, #tpu.memory_space<hbm>>
        tpu.wait_dma2 semaphore(%run_scoped3A : memref<!tpu.dma_semaphore, #tpu.memory_space<semaphore_mem>>) src(%arg6 : memref<64xf32, #tpu.memory_space<vmem>>) dst(%dma_wait3A_52 : memref<64xf32, #tpu.memory_space<hbm>>)
        tpu.yield
      }) : () -> ()
    } else {
    }
    return
  }
}

module attributes {stable_mosaic.version = 14 : i64} {
  func.func @_router_body(%arg0: i32, %arg1: memref<4096x64xf32, #tpu.memory_space<vmem>>, %arg2: memref<8x4096xf32, #tpu.memory_space<vmem>>, %arg3: memref<8x4096xi32, #tpu.memory_space<vmem>>) attributes {dimension_semantics = [#tpu.dimension_semantics<arbitrary>], iteration_bounds = array<i64: 8>, scalar_prefetch = 0 : i64, scratch_operands = 0 : i64, tpu.core_type = #tpu.core_type<tc>, window_params = [{transform_indices = @transform_0, window_bounds = array<i64: 4096, 64>}, {transform_indices = @transform_1, window_bounds = array<i64: 8, 4096>}, {transform_indices = @transform_2, window_bounds = array<i64: 8, 4096>}]} {
    %get3A = arith.constant 0 : index
    %get3A_0 = arith.constant 0 : index
    %get3A_1 = vector.load %arg1[%get3A, %get3A_0] : memref<4096x64xf32, #tpu.memory_space<vmem>>, vector<4096x64xf32>
    %transpose3A = tpu.transpose %get3A_1, [1, 0] : vector<4096x64xf32> -> vector<64x4096xf32>
    %iota3A = tpu.iota {dimensions = array<i32: 0>} : vector<64x4096xi32>
    %reduce_max3A = arith.constant dense<0xFF800000> : vector<4096xf32>
    %reduce_max3A_2 = vector.multi_reduction <maximumf>, %transpose3A, %reduce_max3A [0] : vector<64x4096xf32> to vector<4096xf32>
    %broadcast_in_dim3A = vector.shape_cast %reduce_max3A_2 : vector<4096xf32> to vector<1x4096xf32>
    %eq3A = vector.broadcast %broadcast_in_dim3A : vector<1x4096xf32> to vector<64x4096xf32>
    %eq3A_3 = arith.cmpf oeq, %transpose3A, %eq3A : vector<64x4096xf32>
    %jit3A = arith.constant 64 : i32
    %broadcast_in_dim3A_4 = vector.broadcast %jit3A : i32 to vector<64x4096xi32>
    %select_n3A = arith.select %eq3A_3, %iota3A, %broadcast_in_dim3A_4 : vector<64x4096xi1>, vector<64x4096xi32>
    %reduce_min3A = arith.constant dense<2147483647> : vector<4096xi32>
    %reduce_min3A_5 = vector.multi_reduction <minsi>, %select_n3A, %reduce_min3A [0] : vector<64x4096xi32> to vector<4096xi32>
    %broadcast_in_dim3A_6 = vector.shape_cast %reduce_min3A_5 : vector<4096xi32> to vector<1x4096xi32>
    %eq3A_7 = vector.broadcast %broadcast_in_dim3A_6 : vector<1x4096xi32> to vector<64x4096xi32>
    %eq3A_8 = arith.cmpi eq, %iota3A, %eq3A_7 : vector<64x4096xi32>
    %jit3A_9 = arith.constant 0xFF800000 : f32
    %broadcast_in_dim3A_10 = vector.broadcast %jit3A_9 : f32 to vector<64x4096xf32>
    %select_n3A_11 = arith.select %eq3A_8, %broadcast_in_dim3A_10, %transpose3A : vector<64x4096xi1>, vector<64x4096xf32>
    %reduce_max3A_12 = arith.constant dense<0xFF800000> : vector<4096xf32>
    %reduce_max3A_13 = vector.multi_reduction <maximumf>, %select_n3A_11, %reduce_max3A_12 [0] : vector<64x4096xf32> to vector<4096xf32>
    %broadcast_in_dim3A_14 = vector.shape_cast %reduce_max3A_13 : vector<4096xf32> to vector<1x4096xf32>
    %eq3A_15 = vector.broadcast %broadcast_in_dim3A_14 : vector<1x4096xf32> to vector<64x4096xf32>
    %eq3A_16 = arith.cmpf oeq, %select_n3A_11, %eq3A_15 : vector<64x4096xf32>
    %jit3A_17 = arith.constant 64 : i32
    %broadcast_in_dim3A_18 = vector.broadcast %jit3A_17 : i32 to vector<64x4096xi32>
    %select_n3A_19 = arith.select %eq3A_16, %iota3A, %broadcast_in_dim3A_18 : vector<64x4096xi1>, vector<64x4096xi32>
    %reduce_min3A_20 = arith.constant dense<2147483647> : vector<4096xi32>
    %reduce_min3A_21 = vector.multi_reduction <minsi>, %select_n3A_19, %reduce_min3A_20 [0] : vector<64x4096xi32> to vector<4096xi32>
    %broadcast_in_dim3A_22 = vector.shape_cast %reduce_min3A_21 : vector<4096xi32> to vector<1x4096xi32>
    %eq3A_23 = vector.broadcast %broadcast_in_dim3A_22 : vector<1x4096xi32> to vector<64x4096xi32>
    %eq3A_24 = arith.cmpi eq, %iota3A, %eq3A_23 : vector<64x4096xi32>
    %jit3A_25 = arith.constant 0xFF800000 : f32
    %broadcast_in_dim3A_26 = vector.broadcast %jit3A_25 : f32 to vector<64x4096xf32>
    %select_n3A_27 = arith.select %eq3A_24, %broadcast_in_dim3A_26, %select_n3A_11 : vector<64x4096xi1>, vector<64x4096xf32>
    %reduce_max3A_28 = arith.constant dense<0xFF800000> : vector<4096xf32>
    %reduce_max3A_29 = vector.multi_reduction <maximumf>, %select_n3A_27, %reduce_max3A_28 [0] : vector<64x4096xf32> to vector<4096xf32>
    %broadcast_in_dim3A_30 = vector.shape_cast %reduce_max3A_29 : vector<4096xf32> to vector<1x4096xf32>
    %eq3A_31 = vector.broadcast %broadcast_in_dim3A_30 : vector<1x4096xf32> to vector<64x4096xf32>
    %eq3A_32 = arith.cmpf oeq, %select_n3A_27, %eq3A_31 : vector<64x4096xf32>
    %jit3A_33 = arith.constant 64 : i32
    %broadcast_in_dim3A_34 = vector.broadcast %jit3A_33 : i32 to vector<64x4096xi32>
    %select_n3A_35 = arith.select %eq3A_32, %iota3A, %broadcast_in_dim3A_34 : vector<64x4096xi1>, vector<64x4096xi32>
    %reduce_min3A_36 = arith.constant dense<2147483647> : vector<4096xi32>
    %reduce_min3A_37 = vector.multi_reduction <minsi>, %select_n3A_35, %reduce_min3A_36 [0] : vector<64x4096xi32> to vector<4096xi32>
    %broadcast_in_dim3A_38 = vector.shape_cast %reduce_min3A_37 : vector<4096xi32> to vector<1x4096xi32>
    %eq3A_39 = vector.broadcast %broadcast_in_dim3A_38 : vector<1x4096xi32> to vector<64x4096xi32>
    %eq3A_40 = arith.cmpi eq, %iota3A, %eq3A_39 : vector<64x4096xi32>
    %jit3A_41 = arith.constant 0xFF800000 : f32
    %broadcast_in_dim3A_42 = vector.broadcast %jit3A_41 : f32 to vector<64x4096xf32>
    %select_n3A_43 = arith.select %eq3A_40, %broadcast_in_dim3A_42, %select_n3A_27 : vector<64x4096xi1>, vector<64x4096xf32>
    %reduce_max3A_44 = arith.constant dense<0xFF800000> : vector<4096xf32>
    %reduce_max3A_45 = vector.multi_reduction <maximumf>, %select_n3A_43, %reduce_max3A_44 [0] : vector<64x4096xf32> to vector<4096xf32>
    %broadcast_in_dim3A_46 = vector.shape_cast %reduce_max3A_45 : vector<4096xf32> to vector<1x4096xf32>
    %eq3A_47 = vector.broadcast %broadcast_in_dim3A_46 : vector<1x4096xf32> to vector<64x4096xf32>
    %eq3A_48 = arith.cmpf oeq, %select_n3A_43, %eq3A_47 : vector<64x4096xf32>
    %jit3A_49 = arith.constant 64 : i32
    %broadcast_in_dim3A_50 = vector.broadcast %jit3A_49 : i32 to vector<64x4096xi32>
    %select_n3A_51 = arith.select %eq3A_48, %iota3A, %broadcast_in_dim3A_50 : vector<64x4096xi1>, vector<64x4096xi32>
    %reduce_min3A_52 = arith.constant dense<2147483647> : vector<4096xi32>
    %reduce_min3A_53 = vector.multi_reduction <minsi>, %select_n3A_51, %reduce_min3A_52 [0] : vector<64x4096xi32> to vector<4096xi32>
    %broadcast_in_dim3A_54 = vector.shape_cast %reduce_min3A_53 : vector<4096xi32> to vector<1x4096xi32>
    %eq3A_55 = vector.broadcast %broadcast_in_dim3A_54 : vector<1x4096xi32> to vector<64x4096xi32>
    %eq3A_56 = arith.cmpi eq, %iota3A, %eq3A_55 : vector<64x4096xi32>
    %jit3A_57 = arith.constant 0xFF800000 : f32
    %broadcast_in_dim3A_58 = vector.broadcast %jit3A_57 : f32 to vector<64x4096xf32>
    %select_n3A_59 = arith.select %eq3A_56, %broadcast_in_dim3A_58, %select_n3A_43 : vector<64x4096xi1>, vector<64x4096xf32>
    %reduce_max3A_60 = arith.constant dense<0xFF800000> : vector<4096xf32>
    %reduce_max3A_61 = vector.multi_reduction <maximumf>, %select_n3A_59, %reduce_max3A_60 [0] : vector<64x4096xf32> to vector<4096xf32>
    %broadcast_in_dim3A_62 = vector.shape_cast %reduce_max3A_61 : vector<4096xf32> to vector<1x4096xf32>
    %eq3A_63 = vector.broadcast %broadcast_in_dim3A_62 : vector<1x4096xf32> to vector<64x4096xf32>
    %eq3A_64 = arith.cmpf oeq, %select_n3A_59, %eq3A_63 : vector<64x4096xf32>
    %jit3A_65 = arith.constant 64 : i32
    %broadcast_in_dim3A_66 = vector.broadcast %jit3A_65 : i32 to vector<64x4096xi32>
    %select_n3A_67 = arith.select %eq3A_64, %iota3A, %broadcast_in_dim3A_66 : vector<64x4096xi1>, vector<64x4096xi32>
    %reduce_min3A_68 = arith.constant dense<2147483647> : vector<4096xi32>
    %reduce_min3A_69 = vector.multi_reduction <minsi>, %select_n3A_67, %reduce_min3A_68 [0] : vector<64x4096xi32> to vector<4096xi32>
    %broadcast_in_dim3A_70 = vector.shape_cast %reduce_min3A_69 : vector<4096xi32> to vector<1x4096xi32>
    %eq3A_71 = vector.broadcast %broadcast_in_dim3A_70 : vector<1x4096xi32> to vector<64x4096xi32>
    %eq3A_72 = arith.cmpi eq, %iota3A, %eq3A_71 : vector<64x4096xi32>
    %jit3A_73 = arith.constant 0xFF800000 : f32
    %broadcast_in_dim3A_74 = vector.broadcast %jit3A_73 : f32 to vector<64x4096xf32>
    %select_n3A_75 = arith.select %eq3A_72, %broadcast_in_dim3A_74, %select_n3A_59 : vector<64x4096xi1>, vector<64x4096xf32>
    %reduce_max3A_76 = arith.constant dense<0xFF800000> : vector<4096xf32>
    %reduce_max3A_77 = vector.multi_reduction <maximumf>, %select_n3A_75, %reduce_max3A_76 [0] : vector<64x4096xf32> to vector<4096xf32>
    %broadcast_in_dim3A_78 = vector.shape_cast %reduce_max3A_77 : vector<4096xf32> to vector<1x4096xf32>
    %eq3A_79 = vector.broadcast %broadcast_in_dim3A_78 : vector<1x4096xf32> to vector<64x4096xf32>
    %eq3A_80 = arith.cmpf oeq, %select_n3A_75, %eq3A_79 : vector<64x4096xf32>
    %jit3A_81 = arith.constant 64 : i32
    %broadcast_in_dim3A_82 = vector.broadcast %jit3A_81 : i32 to vector<64x4096xi32>
    %select_n3A_83 = arith.select %eq3A_80, %iota3A, %broadcast_in_dim3A_82 : vector<64x4096xi1>, vector<64x4096xi32>
    %reduce_min3A_84 = arith.constant dense<2147483647> : vector<4096xi32>
    %reduce_min3A_85 = vector.multi_reduction <minsi>, %select_n3A_83, %reduce_min3A_84 [0] : vector<64x4096xi32> to vector<4096xi32>
    %broadcast_in_dim3A_86 = vector.shape_cast %reduce_min3A_85 : vector<4096xi32> to vector<1x4096xi32>
    %eq3A_87 = vector.broadcast %broadcast_in_dim3A_86 : vector<1x4096xi32> to vector<64x4096xi32>
    %eq3A_88 = arith.cmpi eq, %iota3A, %eq3A_87 : vector<64x4096xi32>
    %jit3A_89 = arith.constant 0xFF800000 : f32
    %broadcast_in_dim3A_90 = vector.broadcast %jit3A_89 : f32 to vector<64x4096xf32>
    %select_n3A_91 = arith.select %eq3A_88, %broadcast_in_dim3A_90, %select_n3A_75 : vector<64x4096xi1>, vector<64x4096xf32>
    %reduce_max3A_92 = arith.constant dense<0xFF800000> : vector<4096xf32>
    %reduce_max3A_93 = vector.multi_reduction <maximumf>, %select_n3A_91, %reduce_max3A_92 [0] : vector<64x4096xf32> to vector<4096xf32>
    %broadcast_in_dim3A_94 = vector.shape_cast %reduce_max3A_93 : vector<4096xf32> to vector<1x4096xf32>
    %eq3A_95 = vector.broadcast %broadcast_in_dim3A_94 : vector<1x4096xf32> to vector<64x4096xf32>
    %eq3A_96 = arith.cmpf oeq, %select_n3A_91, %eq3A_95 : vector<64x4096xf32>
    %jit3A_97 = arith.constant 64 : i32
    %broadcast_in_dim3A_98 = vector.broadcast %jit3A_97 : i32 to vector<64x4096xi32>
    %select_n3A_99 = arith.select %eq3A_96, %iota3A, %broadcast_in_dim3A_98 : vector<64x4096xi1>, vector<64x4096xi32>
    %reduce_min3A_100 = arith.constant dense<2147483647> : vector<4096xi32>
    %reduce_min3A_101 = vector.multi_reduction <minsi>, %select_n3A_99, %reduce_min3A_100 [0] : vector<64x4096xi32> to vector<4096xi32>
    %broadcast_in_dim3A_102 = vector.shape_cast %reduce_min3A_101 : vector<4096xi32> to vector<1x4096xi32>
    %eq3A_103 = vector.broadcast %broadcast_in_dim3A_102 : vector<1x4096xi32> to vector<64x4096xi32>
    %eq3A_104 = arith.cmpi eq, %iota3A, %eq3A_103 : vector<64x4096xi32>
    %jit3A_105 = arith.constant 0xFF800000 : f32
    %broadcast_in_dim3A_106 = vector.broadcast %jit3A_105 : f32 to vector<64x4096xf32>
    %select_n3A_107 = arith.select %eq3A_104, %broadcast_in_dim3A_106, %select_n3A_91 : vector<64x4096xi1>, vector<64x4096xf32>
    %reduce_max3A_108 = arith.constant dense<0xFF800000> : vector<4096xf32>
    %reduce_max3A_109 = vector.multi_reduction <maximumf>, %select_n3A_107, %reduce_max3A_108 [0] : vector<64x4096xf32> to vector<4096xf32>
    %broadcast_in_dim3A_110 = vector.shape_cast %reduce_max3A_109 : vector<4096xf32> to vector<1x4096xf32>
    %eq3A_111 = vector.broadcast %broadcast_in_dim3A_110 : vector<1x4096xf32> to vector<64x4096xf32>
    %eq3A_112 = arith.cmpf oeq, %select_n3A_107, %eq3A_111 : vector<64x4096xf32>
    %jit3A_113 = arith.constant 64 : i32
    %broadcast_in_dim3A_114 = vector.broadcast %jit3A_113 : i32 to vector<64x4096xi32>
    %select_n3A_115 = arith.select %eq3A_112, %iota3A, %broadcast_in_dim3A_114 : vector<64x4096xi1>, vector<64x4096xi32>
    %reduce_min3A_116 = arith.constant dense<2147483647> : vector<4096xi32>
    %reduce_min3A_117 = vector.multi_reduction <minsi>, %select_n3A_115, %reduce_min3A_116 [0] : vector<64x4096xi32> to vector<4096xi32>
    %broadcast_in_dim3A_118 = vector.shape_cast %reduce_min3A_117 : vector<4096xi32> to vector<1x4096xi32>
    %concatenate3A = tpu.concatenate %broadcast_in_dim3A, %broadcast_in_dim3A_14, %broadcast_in_dim3A_30, %broadcast_in_dim3A_46, %broadcast_in_dim3A_62, %broadcast_in_dim3A_78, %broadcast_in_dim3A_94, %broadcast_in_dim3A_110 in 0 : vector<1x4096xf32>, vector<1x4096xf32>, vector<1x4096xf32>, vector<1x4096xf32>, vector<1x4096xf32>, vector<1x4096xf32>, vector<1x4096xf32>, vector<1x4096xf32> -> vector<8x4096xf32>
    %concatenate3A_119 = tpu.concatenate %broadcast_in_dim3A_6, %broadcast_in_dim3A_22, %broadcast_in_dim3A_38, %broadcast_in_dim3A_54, %broadcast_in_dim3A_70, %broadcast_in_dim3A_86, %broadcast_in_dim3A_102, %broadcast_in_dim3A_118 in 0 : vector<1x4096xi32>, vector<1x4096xi32>, vector<1x4096xi32>, vector<1x4096xi32>, vector<1x4096xi32>, vector<1x4096xi32>, vector<1x4096xi32>, vector<1x4096xi32> -> vector<8x4096xi32>
    %slice3A = vector.extract_strided_slice %concatenate3A {offsets = [0, 0], sizes = [1, 4096], strides = [1, 1]} : vector<8x4096xf32> to vector<1x4096xf32>
    %sub3A = vector.broadcast %slice3A : vector<1x4096xf32> to vector<8x4096xf32>
    %sub3A_120 = arith.subf %concatenate3A, %sub3A : vector<8x4096xf32>
    %exp3A = math.exp %sub3A_120 : vector<8x4096xf32>
    %reduce_sum3A = arith.constant dense<0.000000e+00> : vector<4096xf32>
    %reduce_sum3A_121 = vector.multi_reduction <add>, %exp3A, %reduce_sum3A [0] : vector<8x4096xf32> to vector<4096xf32>
    %broadcast_in_dim3A_122 = vector.shape_cast %reduce_sum3A_121 : vector<4096xf32> to vector<1x4096xf32>
    %div3A = vector.broadcast %broadcast_in_dim3A_122 : vector<1x4096xf32> to vector<8x4096xf32>
    %div3A_123 = arith.divf %exp3A, %div3A : vector<8x4096xf32>
    %swap3A = arith.constant 0 : index
    %swap3A_124 = arith.constant 0 : index
    %swap3A_125 = vector.load %arg2[%swap3A, %swap3A_124] : memref<8x4096xf32, #tpu.memory_space<vmem>>, vector<8x4096xf32>
    tpu.vector_store %arg2[%swap3A, %swap3A_124], %div3A_123 {strides = array<i32>} : memref<8x4096xf32, #tpu.memory_space<vmem>>, vector<8x4096xf32>,
    %swap3A_126 = arith.constant 0 : index
    %swap3A_127 = arith.constant 0 : index
    %swap3A_128 = vector.load %arg3[%swap3A_126, %swap3A_127] : memref<8x4096xi32, #tpu.memory_space<vmem>>, vector<8x4096xi32>
    tpu.vector_store %arg3[%swap3A_126, %swap3A_127], %concatenate3A_119 {strides = array<i32>} : memref<8x4096xi32, #tpu.memory_space<vmem>>, vector<8x4096xi32>,
    return
  }
  func.func @transform_0(%arg0: i32) -> (i32, i32) {
    %c0_i32 = arith.constant 0 : i32
    %c0_i32_0 = arith.constant 0 : i32
    return %arg0, %c0_i32 : i32, i32
  }
  func.func @transform_1(%arg0: i32) -> (i32, i32) {
    %c0_i32 = arith.constant 0 : i32
    %c0_i32_0 = arith.constant 0 : i32
    return %c0_i32, %arg0 : i32, i32
  }
  func.func @transform_2(%arg0: i32) -> (i32, i32) {
    %c0_i32 = arith.constant 0 : i32
    %c0_i32_0 = arith.constant 0 : i32
    return %c0_i32, %arg0 : i32, i32
  }
}

</mosaic_0001>

<sc_bundles>
// kernel: kernel.4.cloned.1.call-start
scs
__scs_entry_jumppad:
0x0: {  	(pc) =	sbr.rel $0x88, $3  }
0x1: {  	(tag) =	ssettag $0x0;
	lr =	simm.s32 $0x1  }
0x2: {  	[smem:$0x3FA0] =	sst lr;
	_ =	strace $0xD0000000  }
0x3: {  	_ = 	snop  }
0x4: {  	_ = 	snop  }
0x5: {  	_ = 	snop  }
0x6: {  	_ = 	snop  }
0x7: {  	_ = 	snop  }
__scs_overlays_trampoline_lowered:
0x8: {  	[smem:$0x3FAF] =	sst s0  }
0x9: {  	[smem:$0x3FB0] =	sst s1  }
0xa: {  	[smem:$0x3FB1] =	sst s2  }
0xb: {  	[smem:$0x3FB2] =	sst s3  }
0xc: {  	[smem:$0x3FB3] =	sst s4  }
0xd: {  	[smem:$0x3FB4] =	sst s5  }
0xe: {  	[smem:$0x3FB5] =	sst s6  }
0xf: {  	[smem:$0x3FB6] =	sst s7  }
0x10: {  	[smem:$0x3FB7] =	sst s8  }
0x11: {  	[smem:$0x3FB8] =	sst s9;
	s0 =	simm.s32 @!p0 $0x0  }
0x12: {  	s1 =	sld [smem:$0x3F9E];
	s0 =	simm.s32 @p0 $0x1  }
0x13: {  	[smem:$0x3FB9] =	sst s0;
	s0 =	simm.s32 @!p1 $0x0  }
0x14: {  	s2 =	sld [smem:$0x3F9D];
	s0 =	simm.s32 @p1 $0x1  }
0x15: {  	[smem:$0x3FBA] =	sst s0;
	s0 =	simm.s32 @!p2 $0x0  }
0x16: {  	s3 =	sld [smem:$0x3FDB];
	s0 =	simm.s32 @p2 $0x1  }
0x17: {  	s4 =	simm.s32 $0x1BF5;
	[smem:$0x3FBC] =	sst s0  }
0x18: {  	s0 =	sld [smem:$0x3F9F];
	_ =	swait.ge [sflag:s4], $0x0  }
0x19: {  	s7 =	sld [smem:$0x3FA0]  }
0x1a: {  	s8 =	sadd.s32 $0xFFFFE003, lr  }
0x1b: {  	s9 =	sadd.s32 $0xFFFFFEF7, lr;
	s5 =	simm.s32 $0xFFFFFFFF;
	p2 =	slt.u32 s8, $0xFFFFF086  }
0x1c: {  	p1 =	slt.u32 s9, $0xF7A;
	s5 =	simm.s32 @!p2 $0x0  }
0x1d: {  	s5 =	simm.s32 @p1 $0x1;
	p0 =	seq.s32 s7, s2  }
0x1e: {  	s7 =	smul.u32 @!p0 $0xF7A, s2;
	p2 =	seq.s32 @!p0 s5, $0x0  }
0x1f: {  	s9 =	smul.u32 $0xF7A, s1;
	s8 =	simm.s32 @!p0 $0x1BF5;
	p2 =	por !p2, p0  }
0x20: {  	[sflag:s8] =	ssyncset.s32 @!p0 $0xFFFFF086;
	s6 =	sadd.s32 @!p0 s3, s7;
	s7 =	simm.s32 @!p0 $0x108  }
0x21: {  	s3 =	sadd.s32 s3, s9;
	s6 =	sadd.s32 @!p0 $0x88, s6;
	s7 =	simm.s32 @p2 $0x1082  }
0x22: {  	[simem:s7], [sflag:s8] =	dma.local @!p0 [hbm:s6], $0xF7A  }
0x23: {  	s9 =	sor.u32 $0xD0000000, s2;
	s6 =	simm.s32 $0x108;
	_ =	swait.ge @!p0 [sflag:s8], $0x0  }
0x24: {  	s3 =	sadd.s32 $0x88, s3;
	s6 =	simm.s32 @!p1 $0x1082;
	[sflag:s4] =	ssyncset.s32 $0xFFFFF086  }
0x25: {  	[simem:s6], [sflag:s4] =	dma.local [hbm:s3], $0xF7A  }
0x26: {  	[smem:$0x3FA0] =	sst s1;
	(tag) =	ssettag s2;
	_ =	strace s9  }
0x27: {  	s1 =	sld [smem:$0x3FB0]  }
0x28: {  	s2 =	sld [smem:$0x3FB1]  }
0x29: {  	s4 =	sld [smem:$0x3FB3]  }
0x2a: {  	p0 =	seq.s32 s5, $0x0;
	s5 =	sld [smem:$0x3FB4]  }
0x2b: {  	s6 =	sld [smem:$0x3FB5]  }
0x2c: {  	s7 =	sld [smem:$0x3FB6]  }
0x2d: {  	s3 =	simm.s32 $0x108;
	s8 =	sld [smem:$0x3FB7]  }
0x2e: {  	s3 =	simm.s32 @!p0 $0x1082;
	s9 =	sld [smem:$0x3FB8]  }
0x2f: {  	lr =	sadd.s32 s0, s3;
	s0 =	sld [smem:$0x3FAF]  }
0x30: {  	s3 =	sld [smem:$0x3FB2]  }
0x31: {  	[smem:$0x3FBB] =	sst s10  }
0x32: {  	s10 =	sld [smem:$0x3FB9];
	_ =	sdelay $0x3  }
0x33: {  	p0 =	seq.s32 s10, $0x1;
	s10 =	sld [smem:$0x3FBB];
	_ =	sdelay $0x3  }
0x34: {  	[smem:$0x3FBB] =	sst s10  }
0x35: {  	s10 =	sld [smem:$0x3FBA];
	_ =	sdelay $0x3  }
0x36: {  	p1 =	seq.s32 s10, $0x1;
	s10 =	sld [smem:$0x3FBB];
	_ =	sdelay $0x3  }
0x37: {  	[smem:$0x3FBB] =	sst s10  }
0x38: {  	s10 =	sld [smem:$0x3FBC]  }
0x39: {  	_ = 	snop;
	(pc) =	sbr.ind lr, $3  }
0x3a: {  	_ = 	snop  }
0x3b: {  	_ = 	snop  }
0x3c: {  	p2 =	seq.s32 s10, $0x1;
	s10 =	sld [smem:$0x3FBB]  }
0x3d: {  	_ =	shalt  }
0x3e: {  	_ =	shalt  }
0x3f: {  	_ =	shalt  }
0x40: {  	_ =	shalt  }
0x41: {  	_ =	shalt  }
0x42: {  	_ =	shalt  }
0x43: {  	_ =	shalt  }
0x44: {  	_ =	shalt  }
0x45: {  	_ =	shalt  }
0x46: {  	_ =	shalt  }
0x47: {  	_ =	shalt  }
0x48: {  	_ =	shalt  }
0x49: {  	_ =	shalt  }
0x4a: {  	_ =	shalt  }
0x4b: {  	_ =	shalt  }
0x4c: {  	_ =	shalt  }
0x4d: {  	_ =	shalt  }
0x4e: {  	_ =	shalt  }
0x4f: {  	_ =	shalt  }
0x50: {  	_ =	shalt  }
0x51: {  	_ =	shalt  }
0x52: {  	_ =	shalt  }
0x53: {  	_ =	shalt  }
0x54: {  	_ =	shalt  }
0x55: {  	_ =	shalt  }
0x56: {  	_ =	shalt  }
0x57: {  	_ =	shalt  }
0x58: {  	_ =	shalt  }
0x59: {  	_ =	shalt  }
0x5a: {  	_ =	shalt  }
0x5b: {  	_ =	shalt  }
0x5c: {  	_ =	shalt  }
0x5d: {  	_ =	shalt  }
0x5e: {  	_ =	shalt  }
0x5f: {  	_ =	shalt  }
0x60: {  	_ =	shalt  }
0x61: {  	_ =	shalt  }
0x62: {  	_ =	shalt  }
0x63: {  	_ =	shalt  }
0x64: {  	_ =	shalt  }
0x65: {  	_ =	shalt  }
0x66: {  	_ =	shalt  }
0x67: {  	_ =	shalt  }
0x68: {  	_ =	shalt  }
0x69: {  	_ =	shalt  }
0x6a: {  	_ =	shalt  }
0x6b: {  	_ =	shalt  }
0x6c: {  	_ =	shalt  }
0x6d: {  	_ =	shalt  }
0x6e: {  	_ =	shalt  }
0x6f: {  	_ =	shalt  }
0x70: {  	_ =	shalt  }
0x71: {  	_ =	shalt  }
0x72: {  	_ =	shalt  }
0x73: {  	_ =	shalt  }
0x74: {  	_ =	shalt  }
0x75: {  	_ =	shalt  }
0x76: {  	_ =	shalt  }
0x77: {  	_ =	shalt  }
0x78: {  	_ =	shalt  }
0x79: {  	_ =	shalt  }
0x7a: {  	_ =	shalt  }
0x7b: {  	_ =	shalt  }
0x7c: {  	_ =	shalt  }
0x7d: {  	_ =	shalt  }
0x7e: {  	_ =	shalt  }
0x7f: {  	_ =	shalt  }
0x80: {  	_ =	shalt  }
0x81: {  	_ =	shalt  }
0x82: {  	_ =	shalt  }
0x83: {  	_ =	shalt  }
0x84: {  	_ =	shalt  }
0x85: {  	_ =	shalt  }
0x86: {  	_ =	shalt  }
0x87: {  	_ =	shalt  }
.Lfunc_end0:
.L_simem_size_0:
called_computation_lowered:
.L_overlay_start_0:
0x88: {  	s2 =	sld [smem:$0x3FD9]  }
0x89: {  	s3 =	sld [smem:$0x3FFE];
	_ =	sdelay $0x1  }
0x8a: {  	s1 =	srdreg.scid  }
0x8b: {  	s0 =	sand.u32 $0x1, s1  }
0x8c: {  	s15 =	sshll.u32 s0, $0xA;
	s2 =	sadd.s32 s3, s2  }
0x8d: {  	s2 =	sadd.s32 s2, s15  }
0x8e: {  	[smem:$0x3FC7] =	sst s2  }
0x8f: {  	_ = 	snop  }
0x90: {  	s2 =	sld [smem:$0x3FD0];
	_ =	sdelay $0x2  }
0x91: {  	s16 =	simm.s32 $0xA;
	s4 =	simm.s32 $0x10  }
0x92: {  	[smem:s4], [sflag:s16] =	dma.local [hbm:s2], $0x1  }
0x93: {  	_ =	swait.eq [sflag:s16], $0x1  }
0x94: {  	[sflag:s16] =	ssyncset.done $0x0  }
0x95: {  	s17 =	sld [smem:$0x12];
	[sflag:s16] =	ssyncadd.s32 $0xFFFFFFFF  }
0x96: {  	s18 =	sld [smem:$0x13];
	(tm) =	ssettm $0x1  }
0x97: {  	s19 =	sld [smem:$0x3FFB];
	_ =	sdelay $0x3  }
0x98: {  	_ =	strace s19  }
0x99: {  	s4 =	sld [smem:$0x3FFC];
	_ =	sdelay $0x3  }
0x9a: {  	_ =	strace s4  }
0x9b: {  	s4 =	sld [smem:$0x3FFD];
	_ =	sdelay $0x3  }
0x9c: {  	_ =	strace s4  }
0x9d: {  	_ =	strace $0x8FFFFFFF  }
0x9e: {  	s20 =	sld [smem:$0x3FDB];
	_ =	sdelay $0x1  }
0x9f: {  	s5 =	simm.s32 $_scs_section_size  }
0xa0: {  	s6 =	simm.s32 $_size__tile_overlayer_lowered;
	s7 =	simm.s32 $_tile_overlayer_lowered  }
0xa1: {  	s23 =	simm.s32 $0x1BFF;
	s22 =	sshll.u32 s7, $0x1;
	s4 =	sadd.s32 s5, s20  }
0xa2: {  	s8 =	simm.s32 $0x0;
	s21 =	sshll.u32 s6, $0x1;
	s6 =	sadd.s32 s22, s4  }
0xa3: {  	[timem:s8], [sflag:s23] =	dma.local [hbm:s6], s21  }
0xa4: {  	_ =	swait.ge [sflag:s23], s21  }
0xa5: {  	s5 =	ssub.s32 $0x0, s21;
	[sflag:s23] =	ssyncset.done $0x0  }
0xa6: {  	[sflag:s23] =	ssyncadd.s32 s5;
	_ =	sdelay $0x1  }
0xa7: {  	s24 =	simm.s32 $0x1B8B  }
0xa8: {  	_ =	swait.ge [sflag:s24], $0x1  }
0xa9: {  	[sflag:s24] =	ssyncset.done $0x0  }
0xaa: {  	s25 =	simm.s32 $0x1B8E;
	[sflag:s24] =	ssyncadd.s32 $0xFFFFFFFF  }
0xab: {  	s26 =	simm.s32 $execute0_lowered;
	[smem:$0x3FD2] =	sst s25  }
0xac: {  	s5 =	sshll.u32 s26, $0x1;
	_ =	strace $0x80000046;
	[dreg:$0x1] =	wrdreg $0xFFFFFFFF  }
0xad: {  	s28 =	simm.s32 $_size_execute0_lowered;
	s4 =	sadd.s32 s4, s5;
	[dreg:$0x0] =	wrdreg $0x0  }
0xae: {  	s5 =	sshll.u32 s28, $0x1;
	[dreg:$0x2] =	wrdreg s4  }
0xaf: {  	[dreg:$0x3] =	wrdreg s5  }
0xb0: {  	[dreg:$0x4] =	wrdreg $0xC0  }
0xb1: {  	_ =	task [dreg:s8], $0x5FFFF  }
0xb2: {  	[dreg:$0x1] =	wrdreg $0xFFFFFFFF  }
0xb3: {  	[dreg:$0x0] =	wrdreg $0x60  }
0xb4: {  	[dreg:$0x2] =	wrdreg s17  }
0xb5: {  	[dreg:$0x3] =	wrdreg s18  }
0xb6: {  	[dreg:$0x4] =	wrdreg $0x40800  }
0xb7: {  	[dreg:$0x5] =	wrdreg $0x9  }
0xb8: {  	_ =	task.clear_ibuf [dreg:s8], $0x6FFFF;
	_ =	strace $0x90000046  }
0xb9: {  	s29 =	simm.s32 $0x9;
	_ =	strace $0x80000048  }
0xba: {  	_ =	swait.ge [sflag:s29], $0x1  }
0xbb: {  	[sflag:s29] =	ssyncadd.s32 $0xFFFFFFFF  }
0xbc: {  	_ =	strace $0x90000048  }
0xbd: {  	_ =	sfence  }
0xbe: {  	s30 =	sld [smem:$0x0];
	_ =	sdelay $0x2  }
0xbf: {  	s31 =	sshll.u32 s1, $0xD;
	s1 =	sshrl.u32 s1, $0x2  }
0xc0: {  	s3 =	sand.u32 $0x4000, s31;
	s1 =	sadd.s32 s1, s30  }
0xc1: {  	s0 =	sor.u32 s3, s0;
	s1 =	sshll.u32 s1, $0x11  }
0xc2: {  	s0 =	sor.u32 s1, s0  }
0xc3: {  	s0 =	sadd.s32 $0x8F2B, s0  }
0xc4: {  	[sflag:s0] =	ssyncadd.remote.s32 $0x1  }
0xc5: {  	_ =	sfence.sel $0xFFFF  }
0xc6: {  	[dreg:$0x0] =	wrdreg $0xFFFFFFFF;
	(pc) =	sbr.abs _section_cstart, $3  }
0xc7: {  	[dreg:$0x1] =	wrdreg $0xFFFFFFFF  }
0xc8: {  	_ =	task.clear_ibuf [dreg:s8], $0x2FFFF;
	_ =	strace $0x9FFFFFFF  }
0xc9: {  	(tm) =	ssettm $0x7FFFFFFF  }
tec
execute0_lowered:
.L_overlay_start_1:
0x0: {  	(tag) =	ssettag $0x1  }
0x1: {  	s3 =	rddreg [dreg:$0x0]  }
0x2: {  	s4 =	rddreg [dreg:$0x1]  }
0x3: {  	s1 =	rddreg [dreg:$0x2]  }
0x4: {  	s0 =	rddreg [dreg:$0x3];
	s2 =	simm.s32 $0x0;
	s9 =	stileid.u32  }
0x5: {  	s5 =	srdreg.scid;
	[smem:$0x7FF] =	sst s2  }
0x6: {  	s6 =	sshll.u32 s9, $0x1;
	s7 =	sshll.u32 s9, $0x3;
	s5 =	sand.u32 $0x1, s5  }
0x7: {  	p0 =	sne.s32 s9, $0x0;
	s9 =	simm.s32 $0x0;
	_ =	strace $0x80000047  }
0x8: {  	s6 =	sand.u32 $0x2, s6;
	s7 =	sand.u32 $0x70, s7;
	s8 =	ssub.s32 $0x2, s5  }
0x9: {  	s6 =	sor.u32 s5, s6;
	s3 =	sadd.s32 s3, s7;
	s31 =	sshrl.u32 s8, $0x1  }
0xa: {  	s5 =	sshll.u32 s5, $0x3;
	s6 =	sshll.u32 s6, $0xD;
	s7 =	ssub.s32 s8, s31  }
0xb: {  	s4 =	sadd.s32 s4, s5;
	s8 =	simm.s32 $0x1;
	s3 =	sadd.s32 s6, s3  }
0xc: {  	v0 =	vimm.f32 $1.000000000e+00;
	s5 =	smax.u32 s7, $0x1;
	s6 =	simm.s32 $0x80;
	s7 =	simm.s32 $0x400  }
.LBB2_1:
0xd: {  	[tilespmem:s2], [sflag:$0x1] =	stream.strided.gather [hbm4b:s3+s6], $0x2000, s7, s6, $0x38;
	[tilespmem:$0x4088] =	vst v63  }
0xe: {  	_ =	swait.ge [sflag:s8], $0x2000  }
0xf: {  	[sflag:s8] =	ssyncset.done $0x0  }
0x10: {  	s10 =	simm.s32 $0x40;
	s11 =	simm.s32 $0x0;
	[sflag:s8] =	ssyncadd.s32 $0xFFFFE000  }
.LBB2_2:
0x11: {  	p1 =	sne.s32 s10, $0x7FC0;
	[tilespmem:s11+$0x2000] =	vst v0;
	s11 =	smov.u32 s10;
	s10 =	sadd.s32 $0x40, s10  }
.Ltmp0:
0x12: {  	(pc) =	sbr.rel @p1 .LBB2_2-.Ltmp0, $2  }
0x13: {  	_ =	sdelay $0x2  }
0x14: {  	s11 =	sshra.s32 s11, $0x2  }
0x15: {  	[tilespmem:s11+$0x2000] =	vst v0  }
0x16: {  	s10 =	simm.s32 @p0 $0x0;
	s11 =	simm.s32 @p0 $0x2000;
	[bflag:$0x0] =	sbarrier.arrive @p0 $0xFFFF  }
0x17: {  	[spmem:s1] =	stream.indirect.scatter.add.f32 @p0 [tilespmem:s11], [sflag:$0x1], $0x1, s10, s11, $0xb8;
	[tilespmem:$0x4088] =	vst v63  }
0x18: {  	s10 =	simm.s32 @p0 $0x1  }
0x19: {  	_ =	swait.ge @p0 [sflag:s10], $0x2000  }
0x1a: {  	[sflag:s10] =	ssyncset.done @p0 $0x0  }
0x1b: {  	[sflag:s10] =	ssyncadd.s32 @p0 $0xFFFFE000  }
0x1c: {  	v1 =	vimm.f32 @!p0 $0.0e+00;
	[bflag:$0x0] =	sbarrier.arrive @p0 $0xFFFF  }
0x1d: {  	[tilespmem:$0x4000] =	vst @!p0 v1  }
0x1e: {  	[tilespmem:$0x4010] =	vst @!p0 v1  }
0x1f: {  	[tilespmem:$0x4020] =	vst @!p0 v1  }
0x20: {  	s11 =	simm.s32 @!p0 $0x1;
	s10 =	simm.s32 @!p0 $0x4000;
	[tilespmem:$0x4030] =	vst @!p0 v1  }
0x21: {  	[spmem:s1] =	stream.linear.scatter @!p0 [tilespmem:s10], [sflag:$0x1], $0x80, $0x38;
	[tilespmem:$0x4088] =	vst v63  }
0x22: {  	_ =	swait.ge @!p0 [sflag:s11], $0x80  }
0x23: {  	[sflag:s11] =	ssyncset.done @!p0 $0x0  }
0x24: {  	[sflag:s11] =	ssyncadd.s32 @!p0 $0xFFFFFF80  }
0x25: {  	s12 =	simm.s32 @!p0 $0x0;
	s13 =	simm.s32 @!p0 $0x2000;
	[bflag:$0x0] =	sbarrier.arrive @!p0 $0xFFFF  }
0x26: {  	[spmem:s1] =	stream.indirect.scatter.add.f32 @!p0 [tilespmem:s13], [sflag:$0x1], $0x1, s12, s13, $0xb8;
	[tilespmem:$0x4088] =	vst v63  }
0x27: {  	_ =	swait.ge @!p0 [sflag:s11], $0x2000  }
0x28: {  	[sflag:s11] =	ssyncset.done @!p0 $0x0  }
0x29: {  	[sflag:s11] =	ssyncadd.s32 @!p0 $0xFFFFE000  }
0x2a: {  	[bflag:$0x0] =	sbarrier.arrive @!p0 $0xFFFF  }
0x2b: {  	[tilespmem:s10], [sflag:$0x1] =	stream.linear.gather @!p0 [spmem:s1], $0x80, $0x38;
	[tilespmem:$0x4088] =	vst v63  }
0x2c: {  	s9 =	sadd.s32 $0x1, s9;
	_ =	swait.ge @!p0 [sflag:s11], $0x80  }
0x2d: {  	p1 =	sne.s32 s9, s5;
	[sflag:s11] =	ssyncset.done @!p0 $0x0  }
.Ltmp1:
0x2e: {  	[sflag:s11] =	ssyncadd.s32 @!p0 $0xFFFFFF80;
	(pc) =	sbr.rel @p1 .LBB2_1-.Ltmp1, $4  }
0x2f: {  	[hbm4b:s4+s12] =	stream.linear.scatter @!p0 [tilespmem:s10], [sflag:$0x1], $0x40, $0x38;
	[tilespmem:$0x4088] =	vst v63  }
0x30: {  	_ =	swait.ge @!p0 [sflag:s11], $0x40  }
0x31: {  	[sflag:s11] =	ssyncset.done @!p0 $0x0  }
0x32: {  	[sflag:s11] =	ssyncadd.s32 @!p0 $0xFFFFFFC0  }
0x33: {  	_ =	sfence.sel $0x180000  }
0x34: {  	[bflag:$0x0] =	sbarrier.arrive $0xFFFF  }
0x35: {  	_ =	strace $0x90000047  }
0x36: {  	s0 =	sadd.s32 @!p0 $0x100000, s0;
	[bflag:$0x2] =	sbarrier.arrive $0xFFFF  }
0x37: {  	[sflag:s0] =	ssyncadd.tile.s32 @!p0 $0x1;
	_ =	shalt  }
.Lfunc_end2:
_tile_overlayer_lowered:
.L_overlay_start_2:
0x38: {  	(tag) =	ssettag $0x2  }
0x39: {  	s0 =	rddreg [dreg:$0x0];
	s2 =	stileid.u32  }
0x3a: {  	s1 =	rddreg [dreg:$0x1];
	p0 =	sne.s32 s2, $0x0  }
0x3b: {  	s3 =	rddreg [dreg:$0x2];
	[bflag:$0x3] =	sbarrier.arrive $0xFFFF;
	s2 =	simm.s32 @!p0 $0x1C01  }
0x3c: {  	[timem:s3], [sflag:s2] =	dma.local @!p0 [hbm:s0], s1  }
0x3d: {  	s0 =	simm.s32 @!p0 $0x1  }
0x3e: {  	_ =	swait.ge @!p0 [sflag:s0], s1  }
0x3f: {  	s1 =	ssub.s32 @!p0 $0x0, s1;
	[sflag:s0] =	ssyncset.done @!p0 $0x0  }
0x40: {  	[sflag:s0] =	ssyncadd.s32 @!p0 s1  }
0x41: {  	[bflag:$0x3] =	sbarrier.arrive $0xFFFF  }
0x42: {  	_ =	shalt  }

</sc_bundles>
